<compile_context>
chip_gen: v7x
topology: tpu7x:2x2x1
jax: 0.10.2.dev20260603
libtpu: 0.0.44.dev20260713+nightly
codegen_flags: <defaults>
</compile_context>

<pallas_src>
import functools

import jax
import jax.numpy as jnp
from jax import lax
from jax.experimental import pallas as pl
from jax.experimental.pallas import tpu as pltpu
from jax.experimental.pallas import tpu_sc as plsc

_NUM_BRACKETS = 20
_EMBED_DIM = 32
_ELO_MIN = 800.0
_ELO_MAX = 2800.0
_BRACKET_SIZE = (_ELO_MAX - _ELO_MIN) / _NUM_BRACKETS
_LANES = 16
_NC = 2
_NS = 16
_NW = _NC * _NS


@functools.lru_cache(maxsize=None)
def _build(batch: int):
    bpw = batch // _NW
    ngroups = bpw // _LANES
    mesh = plsc.VectorSubcoreMesh(core_axis_name="c", subcore_axis_name="s")

    def body(elo_hbm, table_hbm, out_hbm, elo_v, tabt_v, out_v, sem):
        wid = lax.axis_index("s") * _NC + lax.axis_index("c")
        base = wid * bpw
        half = bpw // 2
        pltpu.sync_copy(table_hbm, tabt_v)
        pltpu.sync_copy(elo_hbm.at[pl.ds(base, bpw)], elo_v)

        def group_body(g):
            eg = elo_v[pl.ds(g * _LANES, _LANES)]
            ef = jnp.clip(eg.astype(jnp.float32), _ELO_MIN, _ELO_MAX - 1.0)
            bf = (ef - _ELO_MIN) / _BRACKET_SIZE
            lo = bf.astype(jnp.int32)
            up = jnp.minimum(lo + 1, _NUM_BRACKETS - 1)
            alpha = bf - lo.astype(jnp.float32)
            col = g * _LANES

            @plsc.parallel_loop(0, _EMBED_DIM, step=1, unroll=4)
            def dim_loop(d):
                dsplat = jnp.full((_LANES,), 1, jnp.int32) * d
                t = plsc.load_gather(tabt_v, [dsplat, lo])
                u = plsc.load_gather(tabt_v, [dsplat, up])
                out_v[d, pl.ds(col, _LANES)] = t + alpha * (u - t)

        plsc.parallel_loop(0, ngroups // 2, step=1, unroll=1)(group_body)
        first = pltpu.async_copy(
            out_v.at[:, pl.ds(0, half)], out_hbm.at[:, pl.ds(base, half)], sem
        )
        plsc.parallel_loop(ngroups // 2, ngroups, step=1, unroll=1)(group_body)
        pltpu.sync_copy(
            out_v.at[:, pl.ds(half, half)],
            out_hbm.at[:, pl.ds(base + half, half)],
        )
        first.wait()

    return pl.kernel(
        body,
        out_type=jax.ShapeDtypeStruct((_EMBED_DIM, batch), jnp.float32),
        mesh=mesh,
        compiler_params=pltpu.CompilerParams(needs_layout_passes=False),
        scratch_types=[
            pltpu.VMEM((bpw,), jnp.int32),
            pltpu.VMEM((_EMBED_DIM, _NUM_BRACKETS), jnp.float32),
            pltpu.VMEM((_EMBED_DIM, bpw), jnp.float32),
            pltpu.SemaphoreType.DMA,
        ],
    )


def kernel(elo, table):
    out_t = _build(elo.shape[0])(elo, table.T)
    return out_t.T

# --- scband reference (transcript-rebuilt; emitter-appended) ---
"""Pipeline reference for scband-elo-embedding-49057116454940 (READ-ONLY COPY).

The authoritative reference and input builder live on the scoring server;
editing this copy changes nothing except your own understanding.
"""

import jax, jax.numpy as jnp
import numpy as np

NUM_BRACKETS = 20
EMBED_DIM = 32
ELO_MIN = 800
ELO_MAX = 2800
BRACKET_SIZE = (ELO_MAX - ELO_MIN) / NUM_BRACKETS


def setup_inputs(seed: int = 0) -> dict:
    key = jax.random.key(seed)
    k_elo, k_tab = jax.random.split(key)
    elo = jax.random.randint(k_elo, (16384,), 0, 2800, dtype=jnp.int64 if jax.config.jax_enable_x64 else jnp.int32).astype(jnp.int32)
    table = jax.random.normal(k_tab, (NUM_BRACKETS, EMBED_DIM), dtype=jnp.float32)
    return {"elo": elo, "table": table}


def reference(elo, table):
    elo_clamped = jnp.clip(elo.astype(jnp.float32), ELO_MIN, ELO_MAX - 1)
    bracket_float = (elo_clamped - ELO_MIN) / BRACKET_SIZE
    lower_idx = jnp.clip(bracket_float.astype(jnp.int32), 0, NUM_BRACKETS - 1)
    upper_idx = jnp.clip(lower_idx + 1, 0, NUM_BRACKETS - 1)
    alpha = (bracket_float - lower_idx.astype(jnp.float32))[..., None]
    lower_embed = jnp.take(table, lower_idx, axis=0)
    upper_embed = jnp.take(table, upper_idx, axis=0)
    return lower_embed * (1.0 - alpha) + upper_embed * alpha

if __name__ == "__main__":
    import jax
    _d = setup_inputs()
    print(jax.jit(kernel)(*tuple(_d.values())))

</pallas_src>

<mosaic_0001>
#map = affine_map<(d0, d1) -> (0)>
#map1 = affine_map<(d0, d1) -> (0, 0)>
module attributes {stable_mosaic.version = 14 : i64} {
  func.func @body(%arg0: i32, %arg1: i32, %arg2: memref<16384xi32, #tpu.memory_space<hbm>>, %arg3: memref<32x20xf32, #tpu.memory_space<hbm>>, %arg4: memref<32x16384xf32, #tpu.memory_space<hbm>>, %arg5: memref<512xi32, #tpu.memory_space<vmem>>, %arg6: memref<32x20xf32, #tpu.memory_space<vmem>>, %arg7: memref<32x512xf32, #tpu.memory_space<vmem>>, %arg8: memref<!tpu.dma_semaphore, #tpu.memory_space<semaphore_mem>>) attributes {dimension_semantics = [#tpu.dimension_semantics<core_parallel>, #tpu.dimension_semantics<subcore_parallel>], iteration_bounds = array<i64: 2, 16>, scalar_prefetch = 0 : i64, scratch_operands = 4 : i64, tpu.core_type = #tpu.core_type<sc_vector_subcore>, window_params = [{transform_indices = #map}, {transform_indices = #map1}, {transform_indices = #map1}]} {
    %mul3A = arith.constant 2 : i32
    %mul3A_0 = arith.muli %arg1, %mul3A : i32
    %add3A = arith.addi %mul3A_0, %arg0 : i32
    %mul3A_1 = arith.constant 512 : i32
    %mul3A_2 = arith.muli %add3A, %mul3A_1 : i32
    "tpu.region"() ({
      %run_scoped3A = tpu.sem_alloc : memref<!tpu.dma_semaphore, #tpu.memory_space<semaphore_mem>>
      tpu.enqueue_dma source(%arg3 : memref<32x20xf32, #tpu.memory_space<hbm>>) target(%arg6 : memref<32x20xf32, #tpu.memory_space<vmem>>) target_semaphore(%run_scoped3A : memref<!tpu.dma_semaphore, #tpu.memory_space<semaphore_mem>>)
      tpu.wait_dma2 semaphore(%run_scoped3A : memref<!tpu.dma_semaphore, #tpu.memory_space<semaphore_mem>>) src(%arg3 : memref<32x20xf32, #tpu.memory_space<hbm>>) dst(%arg6 : memref<32x20xf32, #tpu.memory_space<vmem>>)
      tpu.yield
    }) : () -> ()
    "tpu.region"() ({
      %run_scoped3A = tpu.sem_alloc : memref<!tpu.dma_semaphore, #tpu.memory_space<semaphore_mem>>
      %dma_start3A_28 = tpu.memref_slice %arg2[%mul3A_2] : memref<16384xi32, #tpu.memory_space<hbm>> -> memref<512xi32, #tpu.memory_space<hbm>>
      %dma_start3A_29 = tpu.memref_slice %arg2[%mul3A_2] : memref<16384xi32, #tpu.memory_space<hbm>> -> memref<512xi32, #tpu.memory_space<hbm>>
      tpu.enqueue_dma source(%dma_start3A_29 : memref<512xi32, #tpu.memory_space<hbm>>) target(%arg5 : memref<512xi32, #tpu.memory_space<vmem>>) target_semaphore(%run_scoped3A : memref<!tpu.dma_semaphore, #tpu.memory_space<semaphore_mem>>)
      %dma_wait3A_30 = tpu.memref_slice %arg2[%mul3A_2] : memref<16384xi32, #tpu.memory_space<hbm>> -> memref<512xi32, #tpu.memory_space<hbm>>
      %dma_wait3A_31 = tpu.memref_slice %arg2[%mul3A_2] : memref<16384xi32, #tpu.memory_space<hbm>> -> memref<512xi32, #tpu.memory_space<hbm>>
      tpu.wait_dma2 semaphore(%run_scoped3A : memref<!tpu.dma_semaphore, #tpu.memory_space<semaphore_mem>>) src(%dma_wait3A_31 : memref<512xi32, #tpu.memory_space<hbm>>) dst(%arg5 : memref<512xi32, #tpu.memory_space<vmem>>)
      tpu.yield
    }) : () -> ()
    %parallel_loop3A = arith.constant 0 : i32
    %parallel_loop3A_3 = arith.constant 16 : i32
    %parallel_loop3A_4 = arith.constant 1 : i32
    scf.for %parallel_loop3A_28 = %parallel_loop3A to %parallel_loop3A_3 step %parallel_loop3A_4  : i32 {
      %parallel_loop3A_29 = arith.constant 16 : i32
      %parallel_loop3A_30 = arith.muli %parallel_loop3A_28, %parallel_loop3A_29 : i32
      %parallel_loop3A_31 = arith.index_cast %parallel_loop3A_30 : i32 to index
      %parallel_loop3A_32 = tpu.vector_load %arg5[%parallel_loop3A_31] {strides = array<i32>} : memref<512xi32, #tpu.memory_space<vmem>>, vector<16xi32>,
      %parallel_loop3A_33 = arith.sitofp %parallel_loop3A_32 : vector<16xi32> to vector<16xf32>
      %parallel_loop3A_34 = arith.constant 8.000000e+02 : f32
      %parallel_loop3A_35 = arith.constant 2.799000e+03 : f32
      %parallel_loop3A_36 = vector.broadcast %parallel_loop3A_34 : f32 to vector<16xf32>
      %parallel_loop3A_37 = arith.maximumf %parallel_loop3A_36, %parallel_loop3A_33 : vector<16xf32>
      %parallel_loop3A_38 = vector.broadcast %parallel_loop3A_35 : f32 to vector<16xf32>
      %parallel_loop3A_39 = arith.minimumf %parallel_loop3A_38, %parallel_loop3A_37 : vector<16xf32>
      %parallel_loop3A_40 = arith.constant 8.000000e+02 : f32
      %parallel_loop3A_41 = vector.broadcast %parallel_loop3A_40 : f32 to vector<16xf32>
      %parallel_loop3A_42 = arith.subf %parallel_loop3A_39, %parallel_loop3A_41 : vector<16xf32>
      %parallel_loop3A_43 = arith.constant 1.000000e+02 : f32
      %parallel_loop3A_44 = vector.broadcast %parallel_loop3A_43 : f32 to vector<16xf32>
      %parallel_loop3A_45 = arith.divf %parallel_loop3A_42, %parallel_loop3A_44 : vector<16xf32>
      %parallel_loop3A_46 = arith.fptosi %parallel_loop3A_45 : vector<16xf32> to vector<16xi32>
      %parallel_loop3A_47 = arith.constant 1 : i32
      %parallel_loop3A_48 = vector.broadcast %parallel_loop3A_47 : i32 to vector<16xi32>
      %parallel_loop3A_49 = arith.addi %parallel_loop3A_46, %parallel_loop3A_48 : vector<16xi32>
      %parallel_loop3A_50 = arith.constant 19 : i32
      %parallel_loop3A_51 = vector.broadcast %parallel_loop3A_50 : i32 to vector<16xi32>
      %parallel_loop3A_52 = arith.minsi %parallel_loop3A_49, %parallel_loop3A_51 : vector<16xi32>
      %parallel_loop3A_53 = arith.sitofp %parallel_loop3A_46 : vector<16xi32> to vector<16xf32>
      %parallel_loop3A_54 = arith.subf %parallel_loop3A_45, %parallel_loop3A_53 : vector<16xf32>
      %parallel_loop3A_55 = arith.constant 16 : i32
      %parallel_loop3A_56 = arith.muli %parallel_loop3A_28, %parallel_loop3A_55 : i32
      %parallel_loop3A_57 = arith.constant 0 : i32
      %parallel_loop3A_58 = arith.constant 32 : i32
      %parallel_loop3A_59 = arith.constant 1 : i32
      scf.for %parallel_loop3A_60 = %parallel_loop3A_57 to %parallel_loop3A_58 step %parallel_loop3A_59  : i32 {
        %parallel_loop3A_61 = arith.constant 1 : i32
        %parallel_loop3A_62 = vector.broadcast %parallel_loop3A_61 : i32 to vector<16xi32>
        %parallel_loop3A_63 = vector.broadcast %parallel_loop3A_60 : i32 to vector<16xi32>
        %parallel_loop3A_64 = arith.muli %parallel_loop3A_62, %parallel_loop3A_63 : vector<16xi32>
        %parallel_loop3A_65 = tpu.vector_load_idx %arg6[%parallel_loop3A_64, %parallel_loop3A_46] : memref<32x20xf32, #tpu.memory_space<vmem>>[vector<16xi32>, vector<16xi32>], vector<16xf32>,
        %parallel_loop3A_66 = tpu.vector_load_idx %arg6[%parallel_loop3A_64, %parallel_loop3A_52] : memref<32x20xf32, #tpu.memory_space<vmem>>[vector<16xi32>, vector<16xi32>], vector<16xf32>,
        %parallel_loop3A_67 = arith.subf %parallel_loop3A_66, %parallel_loop3A_65 : vector<16xf32>
        %parallel_loop3A_68 = arith.mulf %parallel_loop3A_54, %parallel_loop3A_67 : vector<16xf32>
        %parallel_loop3A_69 = arith.addf %parallel_loop3A_65, %parallel_loop3A_68 : vector<16xf32>
        %parallel_loop3A_70 = arith.index_cast %parallel_loop3A_60 : i32 to index
        %parallel_loop3A_71 = arith.index_cast %parallel_loop3A_56 : i32 to index
        %parallel_loop3A_72 = tpu.vector_load %arg7[%parallel_loop3A_70, %parallel_loop3A_71] {strides = array<i32>} : memref<32x512xf32, #tpu.memory_space<vmem>>, vector<16xf32>,
        tpu.vector_store %arg7[%parallel_loop3A_70, %parallel_loop3A_71], %parallel_loop3A_69 {strides = array<i32>} : memref<32x512xf32, #tpu.memory_space<vmem>>, vector<16xf32>,
      } {sc.loop_unroll_factor = 4 : i64, sc.parallel_access}
    } {sc.loop_unroll_factor = 1 : i64, sc.parallel_access}
    %dma_start3A = arith.constant 0 : i32
    %dma_start3A_5 = arith.constant 0 : i32
    %dma_start3A_6 = tpu.memref_slice %arg7[%dma_start3A, %dma_start3A_5] : memref<32x512xf32, #tpu.memory_space<vmem>> -> memref<32x256xf32, #tpu.memory_space<vmem>>
    %dma_start3A_7 = arith.constant 0 : i32
    %dma_start3A_8 = tpu.memref_slice %arg4[%dma_start3A_7, %mul3A_2] : memref<32x16384xf32, #tpu.memory_space<hbm>> -> memref<32x256xf32, #tpu.memory_space<hbm>>
    %dma_start3A_9 = arith.constant 0 : i32
    %dma_start3A_10 = tpu.memref_slice %arg4[%dma_start3A_9, %mul3A_2] : memref<32x16384xf32, #tpu.memory_space<hbm>> -> memref<32x256xf32, #tpu.memory_space<hbm>>
    %dma_start3A_11 = arith.constant 0 : i32
    %dma_start3A_12 = arith.constant 0 : i32
    %dma_start3A_13 = tpu.memref_slice %arg7[%dma_start3A_11, %dma_start3A_12] : memref<32x512xf32, #tpu.memory_space<vmem>> -> memref<32x256xf32, #tpu.memory_space<vmem>>
    tpu.enqueue_dma source(%dma_start3A_13 : memref<32x256xf32, #tpu.memory_space<vmem>>) target(%dma_start3A_10 : memref<32x256xf32, #tpu.memory_space<hbm>>) target_semaphore(%arg8 : memref<!tpu.dma_semaphore, #tpu.memory_space<semaphore_mem>>)
    %parallel_loop3A_14 = arith.constant 16 : i32
    %parallel_loop3A_15 = arith.constant 32 : i32
    %parallel_loop3A_16 = arith.constant 1 : i32
    scf.for %parallel_loop3A_28 = %parallel_loop3A_14 to %parallel_loop3A_15 step %parallel_loop3A_16  : i32 {
      %parallel_loop3A_29 = arith.constant 16 : i32
      %parallel_loop3A_30 = arith.muli %parallel_loop3A_28, %parallel_loop3A_29 : i32
      %parallel_loop3A_31 = arith.index_cast %parallel_loop3A_30 : i32 to index
      %parallel_loop3A_32 = tpu.vector_load %arg5[%parallel_loop3A_31] {strides = array<i32>} : memref<512xi32, #tpu.memory_space<vmem>>, vector<16xi32>,
      %parallel_loop3A_33 = arith.sitofp %parallel_loop3A_32 : vector<16xi32> to vector<16xf32>
      %parallel_loop3A_34 = arith.constant 8.000000e+02 : f32
      %parallel_loop3A_35 = arith.constant 2.799000e+03 : f32
      %parallel_loop3A_36 = vector.broadcast %parallel_loop3A_34 : f32 to vector<16xf32>
      %parallel_loop3A_37 = arith.maximumf %parallel_loop3A_36, %parallel_loop3A_33 : vector<16xf32>
      %parallel_loop3A_38 = vector.broadcast %parallel_loop3A_35 : f32 to vector<16xf32>
      %parallel_loop3A_39 = arith.minimumf %parallel_loop3A_38, %parallel_loop3A_37 : vector<16xf32>
      %parallel_loop3A_40 = arith.constant 8.000000e+02 : f32
      %parallel_loop3A_41 = vector.broadcast %parallel_loop3A_40 : f32 to vector<16xf32>
      %parallel_loop3A_42 = arith.subf %parallel_loop3A_39, %parallel_loop3A_41 : vector<16xf32>
      %parallel_loop3A_43 = arith.constant 1.000000e+02 : f32
      %parallel_loop3A_44 = vector.broadcast %parallel_loop3A_43 : f32 to vector<16xf32>
      %parallel_loop3A_45 = arith.divf %parallel_loop3A_42, %parallel_loop3A_44 : vector<16xf32>
      %parallel_loop3A_46 = arith.fptosi %parallel_loop3A_45 : vector<16xf32> to vector<16xi32>
      %parallel_loop3A_47 = arith.constant 1 : i32
      %parallel_loop3A_48 = vector.broadcast %parallel_loop3A_47 : i32 to vector<16xi32>
      %parallel_loop3A_49 = arith.addi %parallel_loop3A_46, %parallel_loop3A_48 : vector<16xi32>
      %parallel_loop3A_50 = arith.constant 19 : i32
      %parallel_loop3A_51 = vector.broadcast %parallel_loop3A_50 : i32 to vector<16xi32>
      %parallel_loop3A_52 = arith.minsi %parallel_loop3A_49, %parallel_loop3A_51 : vector<16xi32>
      %parallel_loop3A_53 = arith.sitofp %parallel_loop3A_46 : vector<16xi32> to vector<16xf32>
      %parallel_loop3A_54 = arith.subf %parallel_loop3A_45, %parallel_loop3A_53 : vector<16xf32>
      %parallel_loop3A_55 = arith.constant 16 : i32
      %parallel_loop3A_56 = arith.muli %parallel_loop3A_28, %parallel_loop3A_55 : i32
      %parallel_loop3A_57 = arith.constant 0 : i32
      %parallel_loop3A_58 = arith.constant 32 : i32
      %parallel_loop3A_59 = arith.constant 1 : i32
      scf.for %parallel_loop3A_60 = %parallel_loop3A_57 to %parallel_loop3A_58 step %parallel_loop3A_59  : i32 {
        %parallel_loop3A_61 = arith.constant 1 : i32
        %parallel_loop3A_62 = vector.broadcast %parallel_loop3A_61 : i32 to vector<16xi32>
        %parallel_loop3A_63 = vector.broadcast %parallel_loop3A_60 : i32 to vector<16xi32>
        %parallel_loop3A_64 = arith.muli %parallel_loop3A_62, %parallel_loop3A_63 : vector<16xi32>
        %parallel_loop3A_65 = tpu.vector_load_idx %arg6[%parallel_loop3A_64, %parallel_loop3A_46] : memref<32x20xf32, #tpu.memory_space<vmem>>[vector<16xi32>, vector<16xi32>], vector<16xf32>,
        %parallel_loop3A_66 = tpu.vector_load_idx %arg6[%parallel_loop3A_64, %parallel_loop3A_52] : memref<32x20xf32, #tpu.memory_space<vmem>>[vector<16xi32>, vector<16xi32>], vector<16xf32>,
        %parallel_loop3A_67 = arith.subf %parallel_loop3A_66, %parallel_loop3A_65 : vector<16xf32>
        %parallel_loop3A_68 = arith.mulf %parallel_loop3A_54, %parallel_loop3A_67 : vector<16xf32>
        %parallel_loop3A_69 = arith.addf %parallel_loop3A_65, %parallel_loop3A_68 : vector<16xf32>
        %parallel_loop3A_70 = arith.index_cast %parallel_loop3A_60 : i32 to index
        %parallel_loop3A_71 = arith.index_cast %parallel_loop3A_56 : i32 to index
        %parallel_loop3A_72 = tpu.vector_load %arg7[%parallel_loop3A_70, %parallel_loop3A_71] {strides = array<i32>} : memref<32x512xf32, #tpu.memory_space<vmem>>, vector<16xf32>,
        tpu.vector_store %arg7[%parallel_loop3A_70, %parallel_loop3A_71], %parallel_loop3A_69 {strides = array<i32>} : memref<32x512xf32, #tpu.memory_space<vmem>>, vector<16xf32>,
      } {sc.loop_unroll_factor = 4 : i64, sc.parallel_access}
    } {sc.loop_unroll_factor = 1 : i64, sc.parallel_access}
    %add3A_17 = arith.constant 256 : i32
    %add3A_18 = arith.addi %mul3A_2, %add3A_17 : i32
    "tpu.region"() ({
      %run_scoped3A = tpu.sem_alloc : memref<!tpu.dma_semaphore, #tpu.memory_space<semaphore_mem>>
      %dma_start3A_28 = arith.constant 0 : i32
      %dma_start3A_29 = arith.constant 256 : i32
      %dma_start3A_30 = tpu.memref_slice %arg7[%dma_start3A_28, %dma_start3A_29] : memref<32x512xf32, #tpu.memory_space<vmem>> -> memref<32x256xf32, #tpu.memory_space<vmem>>
      %dma_start3A_31 = arith.constant 0 : i32
      %dma_start3A_32 = tpu.memref_slice %arg4[%dma_start3A_31, %add3A_18] : memref<32x16384xf32, #tpu.memory_space<hbm>> -> memref<32x256xf32, #tpu.memory_space<hbm>>
      %dma_start3A_33 = arith.constant 0 : i32
      %dma_start3A_34 = tpu.memref_slice %arg4[%dma_start3A_33, %add3A_18] : memref<32x16384xf32, #tpu.memory_space<hbm>> -> memref<32x256xf32, #tpu.memory_space<hbm>>
      %dma_start3A_35 = arith.constant 0 : i32
      %dma_start3A_36 = arith.constant 256 : i32
      %dma_start3A_37 = tpu.memref_slice %arg7[%dma_start3A_35, %dma_start3A_36] : memref<32x512xf32, #tpu.memory_space<vmem>> -> memref<32x256xf32, #tpu.memory_space<vmem>>
      tpu.enqueue_dma source(%dma_start3A_37 : memref<32x256xf32, #tpu.memory_space<vmem>>) target(%dma_start3A_34 : memref<32x256xf32, #tpu.memory_space<hbm>>) target_semaphore(%run_scoped3A : memref<!tpu.dma_semaphore, #tpu.memory_space<semaphore_mem>>)
      %dma_wait3A_38 = arith.constant 0 : i32
      %dma_wait3A_39 = arith.constant 256 : i32
      %dma_wait3A_40 = tpu.memref_slice %arg7[%dma_wait3A_38, %dma_wait3A_39] : memref<32x512xf32, #tpu.memory_space<vmem>> -> memref<32x256xf32, #tpu.memory_space<vmem>>
      %dma_wait3A_41 = arith.constant 0 : i32
      %dma_wait3A_42 = tpu.memref_slice %arg4[%dma_wait3A_41, %add3A_18] : memref<32x16384xf32, #tpu.memory_space<hbm>> -> memref<32x256xf32, #tpu.memory_space<hbm>>
      %dma_wait3A_43 = arith.constant 0 : i32
      %dma_wait3A_44 = tpu.memref_slice %arg4[%dma_wait3A_43, %add3A_18] : memref<32x16384xf32, #tpu.memory_space<hbm>> -> memref<32x256xf32, #tpu.memory_space<hbm>>
      %dma_wait3A_45 = arith.constant 0 : i32
      %dma_wait3A_46 = arith.constant 256 : i32
      %dma_wait3A_47 = tpu.memref_slice %arg7[%dma_wait3A_45, %dma_wait3A_46] : memref<32x512xf32, #tpu.memory_space<vmem>> -> memref<32x256xf32, #tpu.memory_space<vmem>>
      tpu.wait_dma2 semaphore(%run_scoped3A : memref<!tpu.dma_semaphore, #tpu.memory_space<semaphore_mem>>) src(%dma_wait3A_47 : memref<32x256xf32, #tpu.memory_space<vmem>>) dst(%dma_wait3A_44 : memref<32x256xf32, #tpu.memory_space<hbm>>)
      tpu.yield
    }) : () -> ()
    %dma_wait3A = arith.constant 0 : i32
    %dma_wait3A_19 = arith.constant 0 : i32
    %dma_wait3A_20 = tpu.memref_slice %arg7[%dma_wait3A, %dma_wait3A_19] : memref<32x512xf32, #tpu.memory_space<vmem>> -> memref<32x256xf32, #tpu.memory_space<vmem>>
    %dma_wait3A_21 = arith.constant 0 : i32
    %dma_wait3A_22 = tpu.memref_slice %arg4[%dma_wait3A_21, %mul3A_2] : memref<32x16384xf32, #tpu.memory_space<hbm>> -> memref<32x256xf32, #tpu.memory_space<hbm>>
    %dma_wait3A_23 = arith.constant 0 : i32
    %dma_wait3A_24 = tpu.memref_slice %arg4[%dma_wait3A_23, %mul3A_2] : memref<32x16384xf32, #tpu.memory_space<hbm>> -> memref<32x256xf32, #tpu.memory_space<hbm>>
    %dma_wait3A_25 = arith.constant 0 : i32
    %dma_wait3A_26 = arith.constant 0 : i32
    %dma_wait3A_27 = tpu.memref_slice %arg7[%dma_wait3A_25, %dma_wait3A_26] : memref<32x512xf32, #tpu.memory_space<vmem>> -> memref<32x256xf32, #tpu.memory_space<vmem>>
    tpu.wait_dma2 semaphore(%arg8 : memref<!tpu.dma_semaphore, #tpu.memory_space<semaphore_mem>>) src(%dma_wait3A_27 : memref<32x256xf32, #tpu.memory_space<vmem>>) dst(%dma_wait3A_24 : memref<32x256xf32, #tpu.memory_space<hbm>>)
    return
  }
}

</mosaic_0001>

<sc_bundles>
// kernel: kernel.3.cloned.1.call-start
scs
__scs_entry_jumppad:
0x0: {  	(pc) =	sbr.rel $0x88, $3  }
0x1: {  	(tag) =	ssettag $0x0;
	lr =	simm.s32 $0x1  }
0x2: {  	[smem:$0x3F9F] =	sst lr;
	_ =	strace $0xD0000000  }
0x3: {  	_ = 	snop  }
0x4: {  	_ = 	snop  }
0x5: {  	_ = 	snop  }
0x6: {  	_ = 	snop  }
0x7: {  	_ = 	snop  }
__scs_overlays_trampoline_lowered:
0x8: {  	[smem:$0x3FAE] =	sst s0  }
0x9: {  	[smem:$0x3FAF] =	sst s1  }
0xa: {  	[smem:$0x3FB0] =	sst s2  }
0xb: {  	[smem:$0x3FB1] =	sst s3  }
0xc: {  	[smem:$0x3FB2] =	sst s4  }
0xd: {  	[smem:$0x3FB3] =	sst s5  }
0xe: {  	[smem:$0x3FB4] =	sst s6  }
0xf: {  	[smem:$0x3FB5] =	sst s7  }
0x10: {  	[smem:$0x3FB6] =	sst s8  }
0x11: {  	[smem:$0x3FB7] =	sst s9;
	s0 =	simm.s32 @!p0 $0x0  }
0x12: {  	s1 =	sld [smem:$0x3F9D];
	s0 =	simm.s32 @p0 $0x1  }
0x13: {  	[smem:$0x3FB8] =	sst s0;
	s0 =	simm.s32 @!p1 $0x0  }
0x14: {  	s2 =	sld [smem:$0x3F9C];
	s0 =	simm.s32 @p1 $0x1  }
0x15: {  	[smem:$0x3FB9] =	sst s0;
	s0 =	simm.s32 @!p2 $0x0  }
0x16: {  	s3 =	sld [smem:$0x3FDB];
	s0 =	simm.s32 @p2 $0x1  }
0x17: {  	s4 =	simm.s32 $0x1BF5;
	[smem:$0x3FBB] =	sst s0  }
0x18: {  	s0 =	sld [smem:$0x3F9E];
	_ =	swait.ge [sflag:s4], $0x0  }
0x19: {  	s7 =	sld [smem:$0x3F9F]  }
0x1a: {  	s8 =	sadd.s32 $0xFFFFE003, lr  }
0x1b: {  	s9 =	sadd.s32 $0xFFFFFEF7, lr;
	s5 =	simm.s32 $0xFFFFFFFF;
	p2 =	slt.u32 s8, $0xFFFFF086  }
0x1c: {  	p1 =	slt.u32 s9, $0xF7A;
	s5 =	simm.s32 @!p2 $0x0  }
0x1d: {  	s5 =	simm.s32 @p1 $0x1;
	p0 =	seq.s32 s7, s2  }
0x1e: {  	s7 =	smul.u32 @!p0 $0xF7A, s2;
	p2 =	seq.s32 @!p0 s5, $0x0  }
0x1f: {  	s9 =	smul.u32 $0xF7A, s1;
	s8 =	simm.s32 @!p0 $0x1BF5;
	p2 =	por !p2, p0  }
0x20: {  	[sflag:s8] =	ssyncset.s32 @!p0 $0xFFFFF086;
	s6 =	sadd.s32 @!p0 s3, s7;
	s7 =	simm.s32 @!p0 $0x108  }
0x21: {  	s3 =	sadd.s32 s3, s9;
	s6 =	sadd.s32 @!p0 $0x88, s6;
	s7 =	simm.s32 @p2 $0x1082  }
0x22: {  	[simem:s7], [sflag:s8] =	dma.local @!p0 [hbm:s6], $0xF7A  }
0x23: {  	s9 =	sor.u32 $0xD0000000, s2;
	s6 =	simm.s32 $0x108;
	_ =	swait.ge @!p0 [sflag:s8], $0x0  }
0x24: {  	s3 =	sadd.s32 $0x88, s3;
	s6 =	simm.s32 @!p1 $0x1082;
	[sflag:s4] =	ssyncset.s32 $0xFFFFF086  }
0x25: {  	[simem:s6], [sflag:s4] =	dma.local [hbm:s3], $0xF7A  }
0x26: {  	[smem:$0x3F9F] =	sst s1;
	(tag) =	ssettag s2;
	_ =	strace s9  }
0x27: {  	s1 =	sld [smem:$0x3FAF]  }
0x28: {  	s2 =	sld [smem:$0x3FB0]  }
0x29: {  	s4 =	sld [smem:$0x3FB2]  }
0x2a: {  	p0 =	seq.s32 s5, $0x0;
	s5 =	sld [smem:$0x3FB3]  }
0x2b: {  	s6 =	sld [smem:$0x3FB4]  }
0x2c: {  	s7 =	sld [smem:$0x3FB5]  }
0x2d: {  	s3 =	simm.s32 $0x108;
	s8 =	sld [smem:$0x3FB6]  }
0x2e: {  	s3 =	simm.s32 @!p0 $0x1082;
	s9 =	sld [smem:$0x3FB7]  }
0x2f: {  	lr =	sadd.s32 s0, s3;
	s0 =	sld [smem:$0x3FAE]  }
0x30: {  	s3 =	sld [smem:$0x3FB1]  }
0x31: {  	[smem:$0x3FBA] =	sst s10  }
0x32: {  	s10 =	sld [smem:$0x3FB8];
	_ =	sdelay $0x3  }
0x33: {  	p0 =	seq.s32 s10, $0x1;
	s10 =	sld [smem:$0x3FBA];
	_ =	sdelay $0x3  }
0x34: {  	[smem:$0x3FBA] =	sst s10  }
0x35: {  	s10 =	sld [smem:$0x3FB9];
	_ =	sdelay $0x3  }
0x36: {  	p1 =	seq.s32 s10, $0x1;
	s10 =	sld [smem:$0x3FBA];
	_ =	sdelay $0x3  }
0x37: {  	[smem:$0x3FBA] =	sst s10  }
0x38: {  	s10 =	sld [smem:$0x3FBB]  }
0x39: {  	_ = 	snop;
	(pc) =	sbr.ind lr, $3  }
0x3a: {  	_ = 	snop  }
0x3b: {  	_ = 	snop  }
0x3c: {  	p2 =	seq.s32 s10, $0x1;
	s10 =	sld [smem:$0x3FBA]  }
0x3d: {  	_ =	shalt  }
0x3e: {  	_ =	shalt  }
0x3f: {  	_ =	shalt  }
0x40: {  	_ =	shalt  }
0x41: {  	_ =	shalt  }
0x42: {  	_ =	shalt  }
0x43: {  	_ =	shalt  }
0x44: {  	_ =	shalt  }
0x45: {  	_ =	shalt  }
0x46: {  	_ =	shalt  }
0x47: {  	_ =	shalt  }
0x48: {  	_ =	shalt  }
0x49: {  	_ =	shalt  }
0x4a: {  	_ =	shalt  }
0x4b: {  	_ =	shalt  }
0x4c: {  	_ =	shalt  }
0x4d: {  	_ =	shalt  }
0x4e: {  	_ =	shalt  }
0x4f: {  	_ =	shalt  }
0x50: {  	_ =	shalt  }
0x51: {  	_ =	shalt  }
0x52: {  	_ =	shalt  }
0x53: {  	_ =	shalt  }
0x54: {  	_ =	shalt  }
0x55: {  	_ =	shalt  }
0x56: {  	_ =	shalt  }
0x57: {  	_ =	shalt  }
0x58: {  	_ =	shalt  }
0x59: {  	_ =	shalt  }
0x5a: {  	_ =	shalt  }
0x5b: {  	_ =	shalt  }
0x5c: {  	_ =	shalt  }
0x5d: {  	_ =	shalt  }
0x5e: {  	_ =	shalt  }
0x5f: {  	_ =	shalt  }
0x60: {  	_ =	shalt  }
0x61: {  	_ =	shalt  }
0x62: {  	_ =	shalt  }
0x63: {  	_ =	shalt  }
0x64: {  	_ =	shalt  }
0x65: {  	_ =	shalt  }
0x66: {  	_ =	shalt  }
0x67: {  	_ =	shalt  }
0x68: {  	_ =	shalt  }
0x69: {  	_ =	shalt  }
0x6a: {  	_ =	shalt  }
0x6b: {  	_ =	shalt  }
0x6c: {  	_ =	shalt  }
0x6d: {  	_ =	shalt  }
0x6e: {  	_ =	shalt  }
0x6f: {  	_ =	shalt  }
0x70: {  	_ =	shalt  }
0x71: {  	_ =	shalt  }
0x72: {  	_ =	shalt  }
0x73: {  	_ =	shalt  }
0x74: {  	_ =	shalt  }
0x75: {  	_ =	shalt  }
0x76: {  	_ =	shalt  }
0x77: {  	_ =	shalt  }
0x78: {  	_ =	shalt  }
0x79: {  	_ =	shalt  }
0x7a: {  	_ =	shalt  }
0x7b: {  	_ =	shalt  }
0x7c: {  	_ =	shalt  }
0x7d: {  	_ =	shalt  }
0x7e: {  	_ =	shalt  }
0x7f: {  	_ =	shalt  }
0x80: {  	_ =	shalt  }
0x81: {  	_ =	shalt  }
0x82: {  	_ =	shalt  }
0x83: {  	_ =	shalt  }
0x84: {  	_ =	shalt  }
0x85: {  	_ =	shalt  }
0x86: {  	_ =	shalt  }
0x87: {  	_ =	shalt  }
.Lfunc_end0:
.L_simem_size_0:
called_computation_lowered:
.L_overlay_start_0:
0x88: {  	s2 =	sld [smem:$0x3FD9]  }
0x89: {  	s3 =	sld [smem:$0x3FFE];
	_ =	sdelay $0x1  }
0x8a: {  	s1 =	srdreg.scid  }
0x8b: {  	s0 =	sand.u32 $0x1, s1  }
0x8c: {  	s17 =	sshll.u32 s0, $0xA;
	s2 =	sadd.s32 s3, s2  }
0x8d: {  	s2 =	sadd.s32 s2, s17  }
0x8e: {  	[smem:$0x3FC6] =	sst s2  }
0x8f: {  	_ = 	snop  }
0x90: {  	s2 =	sld [smem:$0x3FC9]  }
0x91: {  	s18 =	sld [smem:$0x3FD0];
	(tm) =	ssettm $0x1  }
0x92: {  	s4 =	sld [smem:$0x3FFB];
	_ =	sdelay $0x3  }
0x93: {  	_ =	strace s4  }
0x94: {  	s4 =	sld [smem:$0x3FFC];
	_ =	sdelay $0x3  }
0x95: {  	_ =	strace s4  }
0x96: {  	s4 =	sld [smem:$0x3FFD];
	_ =	sdelay $0x3  }
0x97: {  	_ =	strace s4  }
0x98: {  	_ =	strace $0x8FFFFFFF  }
0x99: {  	s19 =	sld [smem:$0x3FDB];
	_ =	sdelay $0x1  }
0x9a: {  	s5 =	simm.s32 $_scs_section_size  }
0x9b: {  	s6 =	simm.s32 $_size__tile_overlayer_lowered;
	s7 =	simm.s32 $_tile_overlayer_lowered  }
0x9c: {  	s22 =	simm.s32 $0x1BFF;
	s21 =	sshll.u32 s7, $0x1;
	s4 =	sadd.s32 s5, s19  }
0x9d: {  	s8 =	simm.s32 $0x0;
	s20 =	sshll.u32 s6, $0x1;
	s6 =	sadd.s32 s21, s4  }
0x9e: {  	[timem:s8], [sflag:s22] =	dma.local [hbm:s6], s20  }
0x9f: {  	_ =	swait.ge [sflag:s22], s20  }
0xa0: {  	s5 =	ssub.s32 $0x0, s20;
	[sflag:s22] =	ssyncset.done $0x0  }
0xa1: {  	[sflag:s22] =	ssyncadd.s32 s5;
	_ =	sdelay $0x1  }
0xa2: {  	s23 =	simm.s32 $0x1B8B  }
0xa3: {  	_ =	swait.ge [sflag:s23], $0x1  }
0xa4: {  	[sflag:s23] =	ssyncset.done $0x0  }
0xa5: {  	s25 =	simm.s32 $0x1B8E;
	s24 =	sld [smem:$0x3FFE];
	[sflag:s23] =	ssyncadd.s32 $0xFFFFFFFF  }
0xa6: {  	s26 =	simm.s32 $execute0_lowered;
	[smem:$0x3FD2] =	sst s25  }
0xa7: {  	s6 =	sshll.u32 s26, $0x1;
	_ =	strace $0x80000046;
	[dreg:$0x1] =	wrdreg $0xFFFFFFFF  }
0xa8: {  	s28 =	simm.s32 $_size_execute0_lowered;
	s4 =	sadd.s32 s4, s6;
	[dreg:$0x0] =	wrdreg $0x0  }
0xa9: {  	s6 =	sshll.u32 s28, $0x1;
	[dreg:$0x2] =	wrdreg s4  }
0xaa: {  	[dreg:$0x3] =	wrdreg s6  }
0xab: {  	[dreg:$0x4] =	wrdreg $0xC0  }
0xac: {  	_ =	task [dreg:s8], $0x5FFFF  }
0xad: {  	[dreg:$0x1] =	wrdreg $0xFFFFFFFF  }
0xae: {  	[dreg:$0x0] =	wrdreg $0x60  }
0xaf: {  	[dreg:$0x2] =	wrdreg s2  }
0xb0: {  	[dreg:$0x3] =	wrdreg s24  }
0xb1: {  	[dreg:$0x4] =	wrdreg s18  }
0xb2: {  	[dreg:$0x5] =	wrdreg $0x9  }
0xb3: {  	_ =	task.clear_ibuf [dreg:s8], $0x6FFFF;
	_ =	strace $0x90000046  }
0xb4: {  	s29 =	simm.s32 $0x9;
	_ =	strace $0x80000048  }
0xb5: {  	_ =	swait.ge [sflag:s29], $0x1  }
0xb6: {  	[sflag:s29] =	ssyncadd.s32 $0xFFFFFFFF  }
0xb7: {  	_ =	strace $0x90000048  }
0xb8: {  	_ =	sfence  }
0xb9: {  	s30 =	sld [smem:$0x0];
	_ =	sdelay $0x2  }
0xba: {  	s31 =	sshll.u32 s1, $0xD;
	s1 =	sshrl.u32 s1, $0x2  }
0xbb: {  	s3 =	sand.u32 $0x4000, s31;
	s1 =	sadd.s32 s1, s30  }
0xbc: {  	s0 =	sor.u32 s3, s0;
	s1 =	sshll.u32 s1, $0x11  }
0xbd: {  	s0 =	sor.u32 s1, s0  }
0xbe: {  	s0 =	sadd.s32 $0x8F2B, s0  }
0xbf: {  	[sflag:s0] =	ssyncadd.remote.s32 $0x1  }
0xc0: {  	_ =	sfence.sel $0xFFFF  }
0xc1: {  	[dreg:$0x0] =	wrdreg $0xFFFFFFFF;
	(pc) =	sbr.abs _section_cstart, $3  }
0xc2: {  	[dreg:$0x1] =	wrdreg $0xFFFFFFFF  }
0xc3: {  	_ =	task.clear_ibuf [dreg:s8], $0x2FFFF;
	_ =	strace $0x9FFFFFFF  }
0xc4: {  	(tm) =	ssettm $0x7FFFFFFF  }
0xc5: {  	_ =	shalt  }
tec
execute0_lowered:
.L_overlay_start_1:
0x0: {  	(tag) =	ssettag $0x1  }
0x1: {  	s0 =	rddreg [dreg:$0x0]  }
0x2: {  	s2 =	rddreg [dreg:$0x1];
	s1 =	simm.s32 $0x0  }
0x3: {  	[smem:$0x7FF] =	sst s1  }
0x4: {  	s5 =	rddreg [dreg:$0x2];
	v0 =	vimm.f32 $1.000000000e+02;
	_ =	strace $0x80000047  }
0x5: {  	(erf) = vrcp.f32 v0;
	_ =	sdelay $0x1  }
0x6: {  	s3 =	srdreg.scid  }
0x7: {  	s4 =	stileid.u32;
	s8 =	simm.s32 $0x200;
	s9 =	simm.s32 $0x2  }
0x8: {  	s17 =	simm.s32 $0x3A00;
	s18 =	simm.s32 $0x4A00;
	s3 =	sand.u32 $0x1, s3  }
0x9: {  	s19 =	simm.s32 $0x1;
	s4 =	sshll.u32 s4, $0xA;
	s6 =	sshll.u32 s3, $0x9  }
0xa: {  	s20 =	simm.s32 $0x0;
	s7 =	ssub.s32 $0x2, s3;
	s6 =	sor.u32 s6, s4  }
0xb: {  	s3 =	sadd.s32 $0x400, s2;
	s31 =	sshrl.u32 s7, $0x1;
	s4 =	sshrl.u32 s6, $0x3  }
0xc: {  	s2 =	ssub.s32 s7, s31;
	s5 =	sadd.s32 s5, s6;
	s4 =	sadd.s32 s0, s4  }
0xd: {  	s6 =	sadd.s32 $0x100, s5;
	s7 =	smax.u32 s2, $0x1;
	s11 =	sadd.s32 $0x4000, s5;
	v0 =	vpop (erf)  }
.LBB2_1:
0xe: {  	[tilespmem:s8], [sflag:$0x2] =	stream.linear.gather [hbm4b:s3+s1], $0x1000, $0x38;
	[tilespmem:$0x5200] =	vst v63  }
0xf: {  	_ =	swait.ge [sflag:s9], $0x1000  }
0x10: {  	[sflag:s9] =	ssyncset.done $0x0  }
0x11: {  	[sflag:s9] =	ssyncadd.s32 $0xFFFFF000  }
0x12: {  	[tilespmem:s1], [sflag:$0x2] =	stream.linear.gather [hbm4b:s4+s1], $0x200, $0x38;
	[tilespmem:$0x5200] =	vst v63  }
0x13: {  	_ =	swait.ge [sflag:s9], $0x200  }
0x14: {  	[sflag:s9] =	ssyncset.done $0x0  }
0x15: {  	s21 =	simm.s32 $0x0;
	[sflag:s9] =	ssyncadd.s32 $0xFFFFFE00  }
.LBB2_2:
0x16: {  	s0 =	sshll.u32 s21, $0x4  }
0x17: {  	v1 =	vld [tilespmem:s0+$0x0];
	_ =	sdelay $0x4  }
0x18: {  	v1 =	vcvt.s32.f32 v1;
	_ =	sdelay $0x1  }
0x19: {  	v1 =	vmax.f32 v1, $8.000000000e+02  }
0x1a: {  	v1 =	vmin.f32 v1, $2.799000000e+03  }
0x1b: {  	v1 =	vadd.f32 $-8.000000000e+02, v1;
	_ =	sdelay $0x1  }
0x1c: {  	v1 =	vmul.f32 v1, v0;
	_ =	sdelay $0x1  }
0x1d: {  	v2 =	vtrunc.f32 v1  }
0x1e: {  	v3 =	vcvt.f32.s32 v2;
	_ =	sdelay $0x1  }
0x1f: {  	s2 =	simm.s32 $0x0;
	v2 =	vadd.s32 $0x1, v3  }
0x20: {  	s13 =	simm.s32 $0x80;
	v5 =	vadd.s32 s2, v3;
	vm0 =	vlt.s32 v2, $0x13  }
0x21: {  	v6 =	vadd.s32 s13, v3;
	v4 =	vnsel vm0, $0x13, v2  }
0x22: {  	s10 =	simm.s32 $0x180;
	v2 =	vadd.s32 s2, v4  }
0x23: {  	s22 =	simm.s32 $0x100;
	v7 =	vadd.s32 s10, v4  }
0x24: {  	v8 =	vadd.s32 s22, v4  }
0x25: {  	s14 =	simm.s32 $0x200;
	v9 =	vadd.s32 s13, v4;
	v12 =	vld.idx.msk [tilespmem:v5+s8+$0x0], $0xffff  }
0x26: {  	s16 =	simm.s32 $0x380;
	v11 =	vadd.s32 s14, v4;
	v6 =	vld.idx.msk [tilespmem:v6+s8+$0x0], $0xffff  }
0x27: {  	v15 =	vadd.s32 s16, v4;
	v10 =	vld.idx.msk [tilespmem:v2+s8+$0x0], $0xffff  }
0x28: {  	v5 =	vadd.s32 s22, v3;
	v13 =	vld.idx.msk [tilespmem:v7+s8+$0x0], $0xffff  }
0x29: {  	v2 =	vadd.s32 s10, v3;
	v8 =	vld.idx.msk [tilespmem:v8+s8+$0x0], $0xffff  }
0x2a: {  	s23 =	simm.s32 $0x300;
	v7 =	vadd.s32 s14, v3;
	v9 =	vld.idx.msk [tilespmem:v9+s8+$0x0], $0xffff  }
0x2b: {  	s15 =	simm.s32 $0x280;
	v17 =	vadd.s32 s23, v4;
	v21 =	vld.idx.msk [tilespmem:v11+s8+$0x0], $0xffff  }
0x2c: {  	v14 =	vadd.s32 s15, v3;
	v24 =	vld.idx.msk [tilespmem:v15+s8+$0x0], $0xffff  }
0x2d: {  	s24 =	sshll.u32 s21, $0x7;
	v20 =	vadd.s32 s15, v4;
	v19 =	vld.idx.msk [tilespmem:v5+s8+$0x0], $0xffff  }
0x2e: {  	s25 =	simm.s32 $0x0;
	s26 =	simm.s32 $0x400;
	s31 =	simm.s32 $0x580;
	v22 =	vadd.s32 s16, v3;
	v16 =	vld.idx.msk [tilespmem:v2+s8+$0x0], $0xffff;
	v2 =	vcvt.s32.f32 v3  }
0x2f: {  	s28 =	simm.s32 $0x10;
	s0 =	sand.u32 $0x70, s0;
	v23 =	vadd.s32 s23, v3;
	v26 =	vadd.s32 s26, v3;
	s2 =	simm.s32 $0x180;
	v5 =	vld.idx.msk [tilespmem:v7+s8+$0x0], $0xffff  }
0x30: {  	s15 =	simm.s32 $0x480;
	s23 =	simm.s32 $0x380;
	v28 =	vadd.s32 s31, v4;
	s16 =	simm.s32 $0x300;
	v18 =	vld.idx.msk [tilespmem:v17+s8+$0x0], $0xffff;
	v10 =	vsub.f32 v10, v12;
	v2 =	vsub.f32 v1, v2  }
0x31: {  	s13 =	simm.s32 $0x200;
	v27 =	vadd.s32 s15, v3;
	s22 =	sand.u32 $0x400, s24;
	s24 =	simm.s32 $0x100;
	v7 =	vld.idx.msk [tilespmem:v14+s8+$0x0], $0xffff;
	v14 =	vadd.s32 s26, v4;
	v1 =	vmov s0  }
0x32: {  	s30 =	sand.u32 $0x300, s24;
	s24 =	simm.s32 $0x800;
	v20 =	vld.idx.msk [tilespmem:v20+s8+$0x0], $0xffff;
	s26 =	simm.s32 $0x500;
	v8 =	vsub.f32 v8, v19;
	v25 =	vmul.f32 v10, v2;
	v10 =	vsub.f32 v9, v6  }
0x33: {  	s2 =	sand.u32 $0x380, s2;
	s22 =	sor.u32 $0x1200, s22;
	s29 =	sand.u32 $0x3000, s24;
	v11 =	vadd.s32 s15, v4;
	v29 =	vadd.s32 s26, v4;
	v9 =	vld.idx.msk [tilespmem:v22+s8+$0x0], $0xffff;
	v13 =	vsub.f32 v13, v16  }
0x34: {  	s10 =	sand.u32 $0x3000, s25;
	s14 =	simm.s32 $0x80;
	s25 =	simm.s32 $0x0;
	v8 =	vmul.f32 v8, v2;
	v21 =	vsub.f32 v21, v5;
	v17 =	vmul.f32 v10, v2;
	v10 =	vld.idx.msk [tilespmem:v23+s8+$0x0], $0xffff  }
0x35: {  	s12 =	sand.u32 $0x200, s25;
	s25 =	sand.u32 $0x300, s16;
	v15 =	vadd.s32 s26, v3;
	s0 =	sadd.s32 s10, s22;
	v25 =	vadd.f32 v25, v12;
	v12 =	vld.idx.msk [tilespmem:v28+s8+$0x0], $0xffff;
	v22 =	vmul.f32 v13, v2  }
0x36: {  	s26 =	simm.s32 $0x280;
	s10 =	sand.u32 $0x280, s14;
	s12 =	sadd.s32 s12, s0;
	v13 =	vld.idx.msk [tilespmem:v14+s8+$0x0], $0xffff;
	v14 =	vmul.f32 v21, v2;
	v21 =	vadd.f32 v8, v19;
	v23 =	vadd.f32 v17, v6  }
0x37: {  	s10 =	sadd.s32 s10, s0;
	v17 =	vadd.s32 s31, v3;
	v6 =	vld.idx.msk [tilespmem:v26+s8+$0x0], $0xffff;
	s31 =	sadd.s32 s30, s0;
	s30 =	simm.s32 $0x600;
	[tilespmem:v1+s12+$0x0 ss:$0x1] =	vst.idx.msk $0xffff, v25;
	v26 =	vadd.f32 v22, v16  }
0x38: {  	v8 =	vld.idx.msk [tilespmem:v27+s8+$0x0], $0xffff;
	s0 =	sadd.s32 s2, s0;
	s2 =	simm.s32 $0x780;
	v19 =	vadd.s32 s30, v3;
	v22 =	vadd.s32 s30, v4;
	s30 =	simm.s32 $0x680;
	v24 =	vsub.f32 v24, v9;
	[tilespmem:v1+s10+$0x0 ss:$0x1] =	vst.idx.msk $0xffff, v23  }
0x39: {  	v16 =	vld.idx.msk [tilespmem:v29+s8+$0x0], $0xffff;
	s10 =	simm.s32 $0x700;
	v23 =	vsub.f32 v20, v7;
	v20 =	vadd.s32 s30, v3;
	v25 =	vadd.s32 s30, v4;
	s30 =	sand.u32 $0x200, s13;
	[tilespmem:v1+s0+$0x0 ss:$0x1] =	vst.idx.msk $0xffff, v26;
	s0 =	simm.s32 $0x380  }
.LBB2_3:
0x3a: {  	s23 =	sadd.s32 $0x200, s23  }
0x3b: {  	v26 =	vadd.s32 s10, v3;
	v27 =	vadd.s32 s10, v4;
	v28 =	vld.idx.msk [tilespmem:v11+s8+$0x0], $0xffff;
	s24 =	sadd.s32 $0x800, s24;
	s10 =	smov.u32 s28;
	s12 =	sadd.s32 $0x4, s28  }
0x3c: {  	v18 =	vsub.f32 v18, v10;
	[tilespmem:v1+s31+$0x0 ss:$0x1] =	vst.idx.msk $0xffff, v21;
	v29 =	vmovc v9;
	v21 =	vmov v10;
	v11 =	vmov v25;
	s13 =	smov.u32 s26;
	s31 =	smov.u32 s25;
	s0 =	sand.u32 $0x380, s0  }
0x3d: {  	v25 =	vadd.s32 s2, v4;
	v23 =	vmul.f32 v23, v2;
	s14 =	sand.u32 $0x3000, s24;
	s26 =	sadd.s32 $0xFFFFFF00, s23;
	s25 =	sadd.s32 $0xFFFFFF80, s23;
	v9 =	vld.idx.msk [tilespmem:v17+s8+$0x0], $0xffff;
	v17 =	vadd.s32 s2, v3  }
0x3e: {  	p0 =	slt.u32 s28, $0x1C;
	v30 =	vsub.f32 v13, v6;
	s15 =	sadd.s32 $0xFFFFFE80, s23;
	v32 =	vmul.f32 v24, v2;
	v10 =	vld.idx.msk [tilespmem:v15+s8+$0x0], $0xffff;
	s25 =	sand.u32 $0x300, s25;
	v33 =	vmul.f32 v18, v2  }
.Ltmp0:
0x3f: {  	v31 =	vadd.f32 v14, v5;
	s2 =	sadd.s32 s29, s22;
	s13 =	sand.u32 $0x280, s13;
	v5 =	vmovc v6;
	v15 =	vmov v26;
	v13 =	vld.idx.msk [tilespmem:v22+s8+$0x0], $0xffff;
	v22 =	vadd.f32 v23, v7;
	(pc) =	sbr.rel @p0 .LBB2_3-.Ltmp0, $4  }
0x40: {  	s29 =	sadd.s32 s30, s2;
	s13 =	sadd.s32 s13, s2;
	s31 =	sadd.s32 s31, s2;
	v14 =	vmul.f32 v30, v2;
	v26 =	vadd.f32 v32, v29;
	v6 =	vld.idx.msk [tilespmem:v19+s8+$0x0], $0xffff;
	v21 =	vadd.f32 v33, v21  }
0x41: {  	s28 =	smov.u32 s12;
	s30 =	sshll.u32 s10, $0x7;
	s0 =	sadd.s32 s0, s2;
	v7 =	vmov v8;
	v24 =	vmov v12;
	v18 =	vmov v16;
	[tilespmem:v1+s13+$0x0 ss:$0x1] =	vst.idx.msk $0xffff, v22;
	v8 =	vld.idx.msk [tilespmem:v20+s8+$0x0], $0xffff  }
0x42: {  	s10 =	sadd.s32 $0x100, s30;
	s2 =	sadd.s32 $0x180, s30;
	v19 =	vadd.s32 s30, v3;
	v22 =	vadd.s32 s30, v4;
	s13 =	sadd.s32 $0x80, s30;
	v23 =	vsub.f32 v28, v7;
	v12 =	vld.idx.msk [tilespmem:v25+s8+$0x0], $0xffff;
	[tilespmem:v1+s29+$0x0 ss:$0x1] =	vst.idx.msk $0xffff, v31  }
0x43: {  	s30 =	sand.u32 $0x200, s15;
	v20 =	vadd.s32 s13, v3;
	v25 =	vadd.s32 s13, v4;
	v24 =	vsub.f32 v24, v9;
	s29 =	smov.u32 s14;
	v16 =	vld.idx.msk [tilespmem:v27+s8+$0x0], $0xffff;
	[tilespmem:v1+s0+$0x0 ss:$0x1] =	vst.idx.msk $0xffff, v26;
	s0 =	smov.u32 s23  }
0x44: {  	_ =	sdelay $0x3  }
0x45: {  	v11 =	vld.idx.msk [tilespmem:v11+s8+$0x0], $0xffff  }
0x46: {  	v17 =	vld.idx.msk [tilespmem:v17+s8+$0x0], $0xffff  }
0x47: {  	v26 =	vadd.s32 s2, v4;
	v15 =	vld.idx.msk [tilespmem:v15+s8+$0x0], $0xffff  }
0x48: {  	v48 =	vadd.s32 s10, v4;
	v22 =	vld.idx.msk [tilespmem:v22+s8+$0x0], $0xffff  }
0x49: {  	v27 =	vadd.s32 s2, v3;
	v23 =	vmul.f32 v23, v2;
	v19 =	vld.idx.msk [tilespmem:v19+s8+$0x0], $0xffff;
	v18 =	vsub.f32 v18, v10  }
0x4a: {  	v3 =	vadd.s32 s10, v3;
	v20 =	vld.idx.msk [tilespmem:v20+s8+$0x0], $0xffff;
	[tilespmem:v1+s31+$0x0 ss:$0x1] =	vst.idx.msk $0xffff, v21;
	s15 =	sadd.s32 s29, s22;
	v5 =	vadd.f32 v14, v5  }
0x4b: {  	v51 =	vld.idx.msk [tilespmem:v25+s8+$0x0], $0xffff;
	v13 =	vsub.f32 v13, v6;
	v49 =	vmul.f32 v24, v2;
	s12 =	sadd.s32 s30, s15;
	v18 =	vmul.f32 v18, v2  }
0x4c: {  	s16 =	sand.u32 $0x280, s26;
	s0 =	sand.u32 $0x380, s0;
	v7 =	vadd.f32 v23, v7;
	[tilespmem:v1+s12+$0x0 ss:$0x1] =	vst.idx.msk $0xffff, v5;
	v50 =	vld.idx.msk [tilespmem:v26+s8+$0x0], $0xffff  }
0x4d: {  	s23 =	sadd.s32 $0x200, s23;
	s13 =	sadd.s32 $0x800, s24;
	s10 =	sadd.s32 s16, s15;
	v13 =	vmul.f32 v13, v2;
	v9 =	vadd.f32 v49, v9;
	v53 =	vadd.f32 v18, v10;
	v4 =	vld.idx.msk [tilespmem:v48+s8+$0x0], $0xffff  }
0x4e: {  	s21 =	sadd.s32 $0x1, s21;
	s0 =	sadd.s32 s0, s15;
	s26 =	sand.u32 $0x3000, s13;
	[tilespmem:v1+s10+$0x0 ss:$0x1] =	vst.idx.msk $0xffff, v7;
	v52 =	vsub.f32 v11, v8;
	v54 =	vsub.f32 v12, v17;
	v55 =	vld.idx.msk [tilespmem:v27+s8+$0x0], $0xffff  }
0x4f: {  	s14 =	sadd.s32 $0xFFFFFF80, s23;
	s2 =	sadd.s32 s25, s15;
	s15 =	sadd.s32 $0xFFFFFE80, s23;
	[tilespmem:v1+s0+$0x0 ss:$0x1] =	vst.idx.msk $0xffff, v9;
	v56 =	vsub.f32 v16, v15;
	v3 =	vld.idx.msk [tilespmem:v3+s8+$0x0], $0xffff;
	v57 =	vsub.f32 v22, v19  }
0x50: {  	s28 =	sadd.s32 $0xFFFFFF00, s23;
	s29 =	sand.u32 $0x200, s15;
	s12 =	sadd.s32 s26, s22;
	v58 =	vsub.f32 v51, v20;
	v59 =	vadd.f32 v13, v6;
	v7 =	vmul.f32 v52, v2  }
0x51: {  	s30 =	sadd.s32 $0x200, s23;
	s13 =	sadd.s32 $0x800, s13;
	[tilespmem:v1+s2+$0x0 ss:$0x1] =	vst.idx.msk $0xffff, v53;
	s2 =	sadd.s32 s29, s12;
	v5 =	vmul.f32 v54, v2;
	v9 =	vmul.f32 v56, v2  }
0x52: {  	p0 =	sne.s32 s21, $0x10;
	s14 =	sand.u32 $0x300, s14;
	s0 =	sand.u32 $0x280, s28;
	v10 =	vmul.f32 v57, v2;
	[tilespmem:v1+s2+$0x0 ss:$0x1] =	vst.idx.msk $0xffff, v59;
	v7 =	vadd.f32 v7, v8  }
0x53: {  	s13 =	sand.u32 $0x3000, s13;
	s10 =	sand.u32 $0x380, s23;
	s0 =	sadd.s32 s0, s12;
	v5 =	vadd.f32 v5, v17;
	v8 =	vmul.f32 v58, v2;
	v60 =	vsub.f32 v50, v55  }
0x54: {  	s31 =	sadd.s32 $0xFFFFFF00, s30;
	s16 =	sadd.s32 $0xFFFFFE80, s30;
	s10 =	sadd.s32 s10, s12;
	v9 =	vadd.f32 v9, v15;
	v4 =	vsub.f32 v4, v3;
	[tilespmem:v1+s0+$0x0 ss:$0x1] =	vst.idx.msk $0xffff, v7  }
0x55: {  	s24 =	sadd.s32 s14, s12;
	s25 =	sadd.s32 s13, s22;
	s26 =	sand.u32 $0x200, s16;
	v63 =	vadd.f32 v10, v19;
	[tilespmem:v1+s10+$0x0 ss:$0x1] =	vst.idx.msk $0xffff, v5;
	v61 =	vmul.f32 v60, v2  }
.Ltmp1:
0x56: {  	s12 =	sadd.s32 s26, s25;
	v62 =	vadd.f32 v8, v20;
	s0 =	sand.u32 $0x280, s31;
	[tilespmem:v1+s24+$0x0 ss:$0x1] =	vst.idx.msk $0xffff, v9;
	v2 =	vmul.f32 v4, v2;
	(pc) =	sbr.rel @p0 .LBB2_2-.Ltmp1, $4  }
0x57: {  	s28 =	sadd.s32 $0xFFFFFF80, s30;
	s29 =	sand.u32 $0x380, s30;
	[tilespmem:v1+s12+$0x0 ss:$0x1] =	vst.idx.msk $0xffff, v63;
	s0 =	sadd.s32 s0, s25;
	v5 =	vadd.f32 v61, v55  }
0x58: {  	s30 =	sand.u32 $0x300, s28;
	s31 =	sadd.s32 s29, s25;
	[tilespmem:v1+s0+$0x0 ss:$0x1] =	vst.idx.msk $0xffff, v62;
	v2 =	vadd.f32 v2, v3  }
0x59: {  	s0 =	sadd.s32 s30, s25;
	[tilespmem:v1+s31+$0x0 ss:$0x1] =	vst.idx.msk $0xffff, v5  }
0x5a: {  	[tilespmem:v1+s0+$0x0 ss:$0x1] =	vst.idx.msk $0xffff, v2  }
0x5b: {  	s0 =	simm.s32 $0x1200  }
0x5c: {  	[hbm4b:s5+s1] =	stream.linear.scatter [tilespmem:s0], [sflag:$0x1], $0x800, $0x38;
	[tilespmem:$0x5200] =	vst v63  }
0x5d: {  	s28 =	simm.s32 $0x2200  }
0x5e: {  	[hbm4b:s11+s1] =	stream.linear.scatter [tilespmem:s28], [sflag:$0x1], $0x800, $0x38;
	[tilespmem:$0x5200] =	vst v63  }
0x5f: {  	s29 =	sadd.s32 $0x8000, s5;
	s2 =	simm.s32 $0x3200  }
0x60: {  	[hbm4b:s29+s1] =	stream.linear.scatter [tilespmem:s2], [sflag:$0x1], $0x800, $0x38;
	[tilespmem:$0x5200] =	vst v63  }
0x61: {  	s30 =	sadd.s32 $0xC000, s5;
	s31 =	simm.s32 $0x4200;
	s21 =	simm.s32 $0x10  }
0x62: {  	[hbm4b:s30+s1] =	stream.linear.scatter [tilespmem:s31], [sflag:$0x1], $0x800, $0x38;
	[tilespmem:$0x5200] =	vst v63  }
.LBB2_6:
0x63: {  	s0 =	sshll.u32 s21, $0x4  }
0x64: {  	v1 =	vld [tilespmem:s0+$0x0];
	_ =	sdelay $0x4  }
0x65: {  	v1 =	vcvt.s32.f32 v1;
	_ =	sdelay $0x1  }
0x66: {  	v1 =	vmax.f32 v1, $8.000000000e+02  }
0x67: {  	v1 =	vmin.f32 v1, $2.799000000e+03  }
0x68: {  	v1 =	vadd.f32 $-8.000000000e+02, v1;
	_ =	sdelay $0x1  }
0x69: {  	v1 =	vmul.f32 v1, v0;
	_ =	sdelay $0x1  }
0x6a: {  	v2 =	vtrunc.f32 v1  }
0x6b: {  	v3 =	vcvt.f32.s32 v2;
	_ =	sdelay $0x1  }
0x6c: {  	s2 =	simm.s32 $0x0;
	v2 =	vadd.s32 $0x1, v3  }
0x6d: {  	s26 =	simm.s32 $0x80;
	v5 =	vadd.s32 s2, v3;
	vm0 =	vlt.s32 v2, $0x13  }
0x6e: {  	v6 =	vadd.s32 s26, v3;
	v4 =	vnsel vm0, $0x13, v2  }
0x6f: {  	s10 =	simm.s32 $0x180;
	v2 =	vadd.s32 s2, v4  }
0x70: {  	s12 =	simm.s32 $0x100;
	v7 =	vadd.s32 s10, v4  }
0x71: {  	v8 =	vadd.s32 s12, v4  }
0x72: {  	s13 =	simm.s32 $0x200;
	v9 =	vadd.s32 s26, v4;
	v12 =	vld.idx.msk [tilespmem:v5+s8+$0x0], $0xffff  }
0x73: {  	s15 =	simm.s32 $0x380;
	v11 =	vadd.s32 s13, v4;
	v6 =	vld.idx.msk [tilespmem:v6+s8+$0x0], $0xffff  }
0x74: {  	v15 =	vadd.s32 s15, v4;
	v10 =	vld.idx.msk [tilespmem:v2+s8+$0x0], $0xffff  }
0x75: {  	v5 =	vadd.s32 s12, v3;
	v13 =	vld.idx.msk [tilespmem:v7+s8+$0x0], $0xffff  }
0x76: {  	s16 =	simm.s32 $0x300;
	v2 =	vadd.s32 s10, v3;
	v8 =	vld.idx.msk [tilespmem:v8+s8+$0x0], $0xffff  }
0x77: {  	v17 =	vadd.s32 s16, v4;
	v9 =	vld.idx.msk [tilespmem:v9+s8+$0x0], $0xffff  }
0x78: {  	s14 =	simm.s32 $0x280;
	v7 =	vadd.s32 s13, v3;
	v21 =	vld.idx.msk [tilespmem:v11+s8+$0x0], $0xffff  }
0x79: {  	v14 =	vadd.s32 s14, v3;
	v24 =	vld.idx.msk [tilespmem:v15+s8+$0x0], $0xffff  }
0x7a: {  	v20 =	vadd.s32 s14, v4;
	s13 =	sshll.u32 s21, $0x7;
	v19 =	vld.idx.msk [tilespmem:v5+s8+$0x0], $0xffff  }
0x7b: {  	s25 =	simm.s32 $0x100;
	v22 =	vadd.s32 s15, v3;
	s13 =	sand.u32 $0xC00, s13;
	v16 =	vld.idx.msk [tilespmem:v2+s8+$0x0], $0xffff;
	v2 =	vcvt.s32.f32 v3  }
0x7c: {  	v23 =	vadd.s32 s16, v3;
	v18 =	vld.idx.msk [tilespmem:v17+s8+$0x0], $0xffff;
	s22 =	sor.u32 $0x1200, s13;
	s13 =	sand.u32 $0x300, s25;
	s25 =	simm.s32 $0x580  }
0x7d: {  	s24 =	simm.s32 $0x400;
	s26 =	simm.s32 $0x480;
	v28 =	vadd.s32 s25, v4;
	v5 =	vld.idx.msk [tilespmem:v7+s8+$0x0], $0xffff;
	v10 =	vsub.f32 v10, v12;
	v2 =	vsub.f32 v1, v2  }
0x7e: {  	s23 =	simm.s32 $0x0;
	v26 =	vadd.s32 s24, v3;
	s15 =	simm.s32 $0x500;
	v27 =	vadd.s32 s26, v3;
	v7 =	vld.idx.msk [tilespmem:v14+s8+$0x0], $0xffff;
	v14 =	vadd.s32 s24, v4  }
0x7f: {  	s28 =	simm.s32 $0x10;
	s0 =	sand.u32 $0x70, s0;
	s2 =	simm.s32 $0x180;
	v29 =	vadd.s32 s15, v4;
	v20 =	vld.idx.msk [tilespmem:v20+s8+$0x0], $0xffff;
	v25 =	vmul.f32 v10, v2;
	v10 =	vsub.f32 v9, v6  }
0x80: {  	s14 =	simm.s32 $0x0;
	s16 =	simm.s32 $0x300;
	s2 =	sand.u32 $0x380, s2;
	v11 =	vadd.s32 s26, v4;
	v1 =	vmov s0;
	v8 =	vsub.f32 v8, v19;
	v9 =	vld.idx.msk [tilespmem:v22+s8+$0x0], $0xffff  }
0x81: {  	s12 =	sand.u32 $0x200, s14;
	s14 =	simm.s32 $0x600;
	s10 =	simm.s32 $0x80;
	v15 =	vadd.s32 s15, v3;
	v13 =	vsub.f32 v13, v16;
	v17 =	vmul.f32 v10, v2;
	v10 =	vld.idx.msk [tilespmem:v23+s8+$0x0], $0xffff  }
0x82: {  	s26 =	simm.s32 $0x280;
	s15 =	simm.s32 $0x200;
	s0 =	sand.u32 $0x3000, s23;
	v8 =	vmul.f32 v8, v2;
	v21 =	vsub.f32 v21, v5;
	v25 =	vadd.f32 v25, v12;
	v12 =	vld.idx.msk [tilespmem:v28+s8+$0x0], $0xffff  }
0x83: {  	s10 =	sand.u32 $0x280, s10;
	s24 =	simm.s32 $0x800;
	s0 =	sadd.s32 s0, s22;
	v22 =	vmul.f32 v13, v2;
	v13 =	vld.idx.msk [tilespmem:v14+s8+$0x0], $0xffff  }
0x84: {  	s30 =	sand.u32 $0x200, s15;
	s29 =	sand.u32 $0x3000, s24;
	s12 =	sadd.s32 s12, s0;
	v14 =	vmul.f32 v21, v2;
	v21 =	vadd.f32 v8, v19;
	v8 =	vld.idx.msk [tilespmem:v27+s8+$0x0], $0xffff;
	v23 =	vadd.f32 v17, v6  }
0x85: {  	s10 =	sadd.s32 s10, s0;
	v17 =	vadd.s32 s25, v3;
	s25 =	sand.u32 $0x300, s16;
	v6 =	vld.idx.msk [tilespmem:v26+s8+$0x0], $0xffff;
	s16 =	simm.s32 $0x680;
	[tilespmem:v1+s12+$0x0 ss:$0x1] =	vst.idx.msk $0xffff, v25;
	v26 =	vadd.f32 v22, v16  }
0x86: {  	s23 =	simm.s32 $0x380;
	s31 =	sadd.s32 s13, s0;
	s0 =	sadd.s32 s2, s0;
	v19 =	vadd.s32 s14, v3;
	v22 =	vadd.s32 s14, v4;
	v25 =	vadd.s32 s16, v4;
	v16 =	vld.idx.msk [tilespmem:v29+s8+$0x0], $0xffff;
	[tilespmem:v1+s10+$0x0 ss:$0x1] =	vst.idx.msk $0xffff, v23  }
0x87: {  	s2 =	simm.s32 $0x780;
	v24 =	vsub.f32 v24, v9;
	s10 =	simm.s32 $0x700;
	v23 =	vsub.f32 v20, v7;
	v20 =	vadd.s32 s16, v3;
	[tilespmem:v1+s0+$0x0 ss:$0x1] =	vst.idx.msk $0xffff, v26;
	s0 =	simm.s32 $0x380  }
.LBB2_7:
0x88: {  	s23 =	sadd.s32 $0x200, s23  }
0x89: {  	v26 =	vadd.s32 s10, v3;
	v27 =	vadd.s32 s10, v4;
	v28 =	vld.idx.msk [tilespmem:v11+s8+$0x0], $0xffff;
	s24 =	sadd.s32 $0x800, s24;
	s10 =	smov.u32 s28;
	s12 =	sadd.s32 $0x4, s28  }
0x8a: {  	v18 =	vsub.f32 v18, v10;
	[tilespmem:v1+s31+$0x0 ss:$0x1] =	vst.idx.msk $0xffff, v21;
	v29 =	vmovc v9;
	v21 =	vmov v10;
	v11 =	vmov v25;
	s13 =	smov.u32 s26;
	s14 =	smov.u32 s25;
	s0 =	sand.u32 $0x380, s0  }
0x8b: {  	v25 =	vadd.s32 s2, v4;
	v23 =	vmul.f32 v23, v2;
	s15 =	sand.u32 $0x3000, s24;
	s26 =	sadd.s32 $0xFFFFFF00, s23;
	s25 =	sadd.s32 $0xFFFFFF80, s23;
	v9 =	vld.idx.msk [tilespmem:v17+s8+$0x0], $0xffff;
	v17 =	vadd.s32 s2, v3  }
0x8c: {  	p0 =	slt.u32 s28, $0x1C;
	v30 =	vsub.f32 v13, v6;
	s16 =	sadd.s32 $0xFFFFFE80, s23;
	v32 =	vmul.f32 v24, v2;
	v10 =	vld.idx.msk [tilespmem:v15+s8+$0x0], $0xffff;
	s25 =	sand.u32 $0x300, s25;
	v33 =	vmul.f32 v18, v2  }
.Ltmp2:
0x8d: {  	v31 =	vadd.f32 v14, v5;
	s2 =	sadd.s32 s29, s22;
	s13 =	sand.u32 $0x280, s13;
	v5 =	vmovc v6;
	v15 =	vmov v26;
	v13 =	vld.idx.msk [tilespmem:v22+s8+$0x0], $0xffff;
	v22 =	vadd.f32 v23, v7;
	(pc) =	sbr.rel @p0 .LBB2_7-.Ltmp2, $4  }
0x8e: {  	s29 =	sadd.s32 s30, s2;
	s13 =	sadd.s32 s13, s2;
	s31 =	sadd.s32 s14, s2;
	v14 =	vmul.f32 v30, v2;
	v26 =	vadd.f32 v32, v29;
	v6 =	vld.idx.msk [tilespmem:v19+s8+$0x0], $0xffff;
	v21 =	vadd.f32 v33, v21  }
0x8f: {  	s28 =	smov.u32 s12;
	s14 =	sshll.u32 s10, $0x7;
	s0 =	sadd.s32 s0, s2;
	v7 =	vmov v8;
	v24 =	vmov v12;
	v18 =	vmov v16;
	[tilespmem:v1+s13+$0x0 ss:$0x1] =	vst.idx.msk $0xffff, v22;
	v8 =	vld.idx.msk [tilespmem:v20+s8+$0x0], $0xffff  }
0x90: {  	s10 =	sadd.s32 $0x100, s14;
	s2 =	sadd.s32 $0x180, s14;
	v19 =	vadd.s32 s14, v3;
	v22 =	vadd.s32 s14, v4;
	s13 =	sadd.s32 $0x80, s14;
	v23 =	vsub.f32 v28, v7;
	v12 =	vld.idx.msk [tilespmem:v25+s8+$0x0], $0xffff;
	[tilespmem:v1+s29+$0x0 ss:$0x1] =	vst.idx.msk $0xffff, v31  }
0x91: {  	s30 =	sand.u32 $0x200, s16;
	v20 =	vadd.s32 s13, v3;
	v25 =	vadd.s32 s13, v4;
	v24 =	vsub.f32 v24, v9;
	s29 =	smov.u32 s15;
	v16 =	vld.idx.msk [tilespmem:v27+s8+$0x0], $0xffff;
	[tilespmem:v1+s0+$0x0 ss:$0x1] =	vst.idx.msk $0xffff, v26;
	s0 =	smov.u32 s23  }
0x92: {  	_ =	sdelay $0x3  }
0x93: {  	v11 =	vld.idx.msk [tilespmem:v11+s8+$0x0], $0xffff  }
0x94: {  	v17 =	vld.idx.msk [tilespmem:v17+s8+$0x0], $0xffff  }
0x95: {  	v26 =	vadd.s32 s2, v4;
	v15 =	vld.idx.msk [tilespmem:v15+s8+$0x0], $0xffff  }
0x96: {  	v48 =	vadd.s32 s10, v4;
	v22 =	vld.idx.msk [tilespmem:v22+s8+$0x0], $0xffff  }
0x97: {  	v27 =	vadd.s32 s2, v3;
	v23 =	vmul.f32 v23, v2;
	v19 =	vld.idx.msk [tilespmem:v19+s8+$0x0], $0xffff;
	v18 =	vsub.f32 v18, v10  }
0x98: {  	v3 =	vadd.s32 s10, v3;
	v20 =	vld.idx.msk [tilespmem:v20+s8+$0x0], $0xffff;
	[tilespmem:v1+s31+$0x0 ss:$0x1] =	vst.idx.msk $0xffff, v21;
	s15 =	sadd.s32 s29, s22;
	v5 =	vadd.f32 v14, v5  }
0x99: {  	v51 =	vld.idx.msk [tilespmem:v25+s8+$0x0], $0xffff;
	v13 =	vsub.f32 v13, v6;
	v49 =	vmul.f32 v24, v2;
	s12 =	sadd.s32 s30, s15;
	v18 =	vmul.f32 v18, v2  }
0x9a: {  	s16 =	sand.u32 $0x280, s26;
	s0 =	sand.u32 $0x380, s0;
	v7 =	vadd.f32 v23, v7;
	[tilespmem:v1+s12+$0x0 ss:$0x1] =	vst.idx.msk $0xffff, v5;
	v50 =	vld.idx.msk [tilespmem:v26+s8+$0x0], $0xffff  }
0x9b: {  	s26 =	sadd.s32 $0x200, s23;
	s13 =	sadd.s32 $0x800, s24;
	s10 =	sadd.s32 s16, s15;
	v13 =	vmul.f32 v13, v2;
	v9 =	vadd.f32 v49, v9;
	v53 =	vadd.f32 v18, v10;
	v4 =	vld.idx.msk [tilespmem:v48+s8+$0x0], $0xffff  }
0x9c: {  	s21 =	sadd.s32 $0x1, s21;
	s0 =	sadd.s32 s0, s15;
	s28 =	sand.u32 $0x3000, s13;
	[tilespmem:v1+s10+$0x0 ss:$0x1] =	vst.idx.msk $0xffff, v7;
	v52 =	vsub.f32 v11, v8;
	v54 =	vsub.f32 v12, v17;
	v55 =	vld.idx.msk [tilespmem:v27+s8+$0x0], $0xffff  }
0x9d: {  	s14 =	sadd.s32 $0xFFFFFF80, s26;
	s2 =	sadd.s32 s25, s15;
	s15 =	sadd.s32 $0xFFFFFE80, s26;
	[tilespmem:v1+s0+$0x0 ss:$0x1] =	vst.idx.msk $0xffff, v9;
	v56 =	vsub.f32 v16, v15;
	v3 =	vld.idx.msk [tilespmem:v3+s8+$0x0], $0xffff;
	v57 =	vsub.f32 v22, v19  }
0x9e: {  	s29 =	sadd.s32 $0xFFFFFF00, s26;
	s30 =	sand.u32 $0x200, s15;
	s12 =	sadd.s32 s28, s22;
	v58 =	vsub.f32 v51, v20;
	v59 =	vadd.f32 v13, v6;
	v7 =	vmul.f32 v52, v2  }
0x9f: {  	s31 =	sadd.s32 $0x200, s26;
	s13 =	sadd.s32 $0x800, s13;
	[tilespmem:v1+s2+$0x0 ss:$0x1] =	vst.idx.msk $0xffff, v53;
	s2 =	sadd.s32 s30, s12;
	v5 =	vmul.f32 v54, v2;
	v9 =	vmul.f32 v56, v2  }
0xa0: {  	p0 =	sne.s32 s21, $0x20;
	s14 =	sand.u32 $0x300, s14;
	s0 =	sand.u32 $0x280, s29;
	v10 =	vmul.f32 v57, v2;
	[tilespmem:v1+s2+$0x0 ss:$0x1] =	vst.idx.msk $0xffff, v59;
	v7 =	vadd.f32 v7, v8  }
0xa1: {  	s13 =	sand.u32 $0x3000, s13;
	s10 =	sand.u32 $0x380, s26;
	s0 =	sadd.s32 s0, s12;
	v5 =	vadd.f32 v5, v17;
	v8 =	vmul.f32 v58, v2;
	v60 =	vsub.f32 v50, v55  }
0xa2: {  	s23 =	sadd.s32 $0xFFFFFF00, s31;
	s16 =	sadd.s32 $0xFFFFFE80, s31;
	s10 =	sadd.s32 s10, s12;
	v9 =	vadd.f32 v9, v15;
	v4 =	vsub.f32 v4, v3;
	[tilespmem:v1+s0+$0x0 ss:$0x1] =	vst.idx.msk $0xffff, v7  }
0xa3: {  	s24 =	sadd.s32 s14, s12;
	s25 =	sadd.s32 s13, s22;
	s26 =	sand.u32 $0x200, s16;
	v63 =	vadd.f32 v10, v19;
	[tilespmem:v1+s10+$0x0 ss:$0x1] =	vst.idx.msk $0xffff, v5;
	v61 =	vmul.f32 v60, v2  }
.Ltmp3:
0xa4: {  	s12 =	sadd.s32 s26, s25;
	v62 =	vadd.f32 v8, v20;
	s0 =	sand.u32 $0x280, s23;
	[tilespmem:v1+s24+$0x0 ss:$0x1] =	vst.idx.msk $0xffff, v9;
	v2 =	vmul.f32 v4, v2;
	(pc) =	sbr.rel @p0 .LBB2_6-.Ltmp3, $4  }
0xa5: {  	s28 =	sadd.s32 $0xFFFFFF80, s31;
	s29 =	sand.u32 $0x380, s31;
	[tilespmem:v1+s12+$0x0 ss:$0x1] =	vst.idx.msk $0xffff, v63;
	s0 =	sadd.s32 s0, s25;
	v5 =	vadd.f32 v61, v55  }
0xa6: {  	s30 =	sand.u32 $0x300, s28;
	s31 =	sadd.s32 s29, s25;
	[tilespmem:v1+s0+$0x0 ss:$0x1] =	vst.idx.msk $0xffff, v62;
	v2 =	vadd.f32 v2, v3  }
0xa7: {  	s0 =	sadd.s32 s30, s25;
	[tilespmem:v1+s31+$0x0 ss:$0x1] =	vst.idx.msk $0xffff, v5  }
0xa8: {  	[tilespmem:v1+s0+$0x0 ss:$0x1] =	vst.idx.msk $0xffff, v2  }
0xa9: {  	s0 =	simm.s32 $0x1A00  }
0xaa: {  	[hbm4b:s6+s1] =	stream.linear.scatter [tilespmem:s0], [sflag:$0x2], $0x800, $0x38;
	[tilespmem:$0x5200] =	vst v63  }
0xab: {  	s29 =	sadd.s32 $0x4000, s6;
	s2 =	simm.s32 $0x2A00  }
0xac: {  	[hbm4b:s29+s1] =	stream.linear.scatter [tilespmem:s2], [sflag:$0x2], $0x800, $0x38;
	[tilespmem:$0x5200] =	vst v63  }
0xad: {  	s30 =	sadd.s32 $0x8000, s6  }
0xae: {  	[hbm4b:s30+s1] =	stream.linear.scatter [tilespmem:s17], [sflag:$0x2], $0x800, $0x38;
	[tilespmem:$0x5200] =	vst v63  }
0xaf: {  	s31 =	sadd.s32 $0xC000, s6;
	s20 =	sadd.s32 $0x1, s20  }
0xb0: {  	[hbm4b:s31+s1] =	stream.linear.scatter [tilespmem:s18], [sflag:$0x2], $0x800, $0x38;
	[tilespmem:$0x5200] =	vst v63  }
0xb1: {  	p0 =	sne.s32 s20, s7;
	_ =	swait.ge [sflag:s9], $0x2000  }
.Ltmp4:
0xb2: {  	[sflag:s9] =	ssyncset.done $0x0;
	(pc) =	sbr.rel @p0 .LBB2_1-.Ltmp4, $4  }
0xb3: {  	[sflag:s9] =	ssyncadd.s32 $0xFFFFE000  }
0xb4: {  	_ =	swait.ge [sflag:s19], $0x2000  }
0xb5: {  	[sflag:s19] =	ssyncset.done $0x0  }
0xb6: {  	[sflag:s19] =	ssyncadd.s32 $0xFFFFE000  }
0xb7: {  	_ =	sfence.sel $0x180000  }
0xb8: {  	[bflag:$0x0] =	sbarrier.arrive $0xFFFF  }
0xb9: {  	_ =	strace $0x90000047  }
0xba: {  	s0 =	stileid.u32;
	[bflag:$0x2] =	sbarrier.arrive $0xFFFF  }
0xbb: {  	p0 =	sne.s32 s0, $0x0;
	s0 =	rddreg [dreg:$0x3]  }
0xbc: {  	s0 =	sadd.s32 @!p0 $0x100000, s0  }
0xbd: {  	[sflag:s0] =	ssyncadd.tile.s32 @!p0 $0x1;
	_ =	shalt  }
.Lfunc_end2:
_tile_overlayer_lowered:
.L_overlay_start_2:
0xbe: {  	(tag) =	ssettag $0x2  }
0xbf: {  	s0 =	rddreg [dreg:$0x0];
	s2 =	stileid.u32  }
0xc0: {  	s1 =	rddreg [dreg:$0x1];
	p0 =	sne.s32 s2, $0x0  }
0xc1: {  	s3 =	rddreg [dreg:$0x2];
	[bflag:$0x3] =	sbarrier.arrive $0xFFFF;
	s2 =	simm.s32 @!p0 $0x1C02  }
0xc2: {  	[timem:s3], [sflag:s2] =	dma.local @!p0 [hbm:s0], s1  }
0xc3: {  	s0 =	simm.s32 @!p0 $0x2  }
0xc4: {  	_ =	swait.ge @!p0 [sflag:s0], s1  }
0xc5: {  	s1 =	ssub.s32 @!p0 $0x0, s1;
	[sflag:s0] =	ssyncset.done @!p0 $0x0  }
0xc6: {  	[sflag:s0] =	ssyncadd.s32 @!p0 s1  }
0xc7: {  	[bflag:$0x3] =	sbarrier.arrive $0xFFFF  }
0xc8: {  	_ =	shalt  }

</sc_bundles>
